<compile_context>
chip_gen: v7x
topology: tpu7x:2x2x1
jax: 0.10.2.dev20260603
libtpu: 0.0.44.dev20260713+nightly
codegen_flags: <defaults>
</compile_context>

<pallas_src>
import functools
import math

import jax
import jax.numpy as jnp
from jax import lax
from jax.experimental import pallas as pl
from jax.experimental.pallas import tpu as pltpu
from jax.experimental.pallas import tpu_sc as plsc

D_MODEL = 64
NUM_WORKERS = 32
CHUNK = 128


SPLIT = 524288
BLKW = 8192


def _tc_transform(table_t, w_t8, b8):
    V = table_t.shape[1]
    nblk = SPLIT // BLKW
    last_blk = (V + BLKW - 1) // BLKW - 1

    def body(lo_ref, hi_ref, w_ref, b_ref, o_ref):
        dn = (((0,), (0,)), ((), ()))
        lo = lax.dot_general(lo_ref[...], w_ref[...], dn,
                             preferred_element_type=jnp.float32) + b_ref[...]
        hi = lax.dot_general(hi_ref[...], w_ref[...], dn,
                             preferred_element_type=jnp.float32) + b_ref[...]
        o_ref[...] = jnp.concatenate([lo, hi], axis=1)

    return pl.pallas_call(
        body,
        grid=(nblk,),
        in_specs=[
            pl.BlockSpec((D_MODEL, BLKW), lambda i: (0, i)),
            pl.BlockSpec(
                (D_MODEL, BLKW),
                lambda i, n=nblk, lb=last_blk: (0, jnp.minimum(i + n, lb)),
            ),
            pl.BlockSpec((D_MODEL, D_MODEL), lambda i: (0, 0)),
            pl.BlockSpec((1, D_MODEL), lambda i: (0, 0)),
        ],
        out_specs=pl.BlockSpec((BLKW, 2 * D_MODEL), lambda i: (i, 0)),
        out_shape=jax.ShapeDtypeStruct((SPLIT, 2 * D_MODEL), jnp.float32),
    )(table_t, table_t, w_t8, b8)


def _sc_gather(table, idx2, bsz, seqlen):
    chunk = idx2.shape[1]
    nb = bsz // NUM_WORKERS

    mesh = plsc.VectorSubcoreMesh(core_axis_name="c", subcore_axis_name="s")

    @functools.partial(
        pl.kernel,
        out_type=jax.ShapeDtypeStruct((bsz * seqlen, D_MODEL), jnp.float32),
        mesh=mesh,
        scratch_types=[
            pltpu.VMEM((2 * nb, chunk), jnp.int32),
            pltpu.VMEM((seqlen, D_MODEL), jnp.float32),
            pltpu.SemaphoreType.DMA,
        ],
        compiler_params=pltpu.CompilerParams(use_tc_tiling_on_sc=False),
    )
    def gather_kernel(table_hbm, idx_hbm, out_hbm, idx_v, stage_v, sem):
        wid = lax.axis_index("s") * 2 + lax.axis_index("c")
        pltpu.sync_copy(idx_hbm.at[pl.ds(wid * 2 * nb, 2 * nb)], idx_v)

        def body(lb, carry):
            cp0 = pltpu.async_copy(
                table_hbm.at[idx_v.at[2 * lb]],
                stage_v.at[pl.ds(0, chunk)], sem)
            cp1 = pltpu.async_copy(
                table_hbm.at[idx_v.at[2 * lb + 1]],
                stage_v.at[pl.ds(chunk, chunk)], sem)
            cp0.wait()
            cp1.wait()
            pltpu.sync_copy(
                stage_v, out_hbm.at[pl.ds((wid * nb + lb) * seqlen, seqlen)])
            return carry

        lax.fori_loop(0, nb, body, 0)

    return gather_kernel(table, idx2)


def _tc_to_output_layout(y3, bsz, seqlen):
    BL = 128
    AW = 10
    cols = AW * 2 * D_MODEL
    y6 = y3.reshape(bsz, seqlen * D_MODEL)

    def body(x_ref, o_ref):
        xt = x_ref[...].T
        o_ref[...] = xt.reshape(2 * AW, D_MODEL, BL)

    zt = pl.pallas_call(
        body,
        grid=(bsz // BL, (seqlen // 2) // AW),
        in_specs=[pl.BlockSpec((BL, cols), lambda j, k: (j, k))],
        out_specs=pl.BlockSpec((2 * AW, D_MODEL, BL), lambda j, k: (k, 0, j)),
        out_shape=jax.ShapeDtypeStruct((seqlen, D_MODEL, bsz), jnp.float32),
    )(y6)
    return zt.transpose(2, 0, 1)


def kernel(x, table, W, b, lang_id):
    bsz, seqlen = x.shape

    scale = math.sqrt(float(D_MODEL))
    w_t8 = W.T * scale
    b8 = (b * scale).reshape(1, D_MODEL)

    t2_pairs = _tc_transform(table.T, w_t8, b8)
    t2 = t2_pairs.reshape(2 * SPLIT, D_MODEL)

    xi = x.reshape(-1).astype(jnp.int32)
    g = jnp.where(xi < SPLIT, 2 * xi, 2 * (xi - SPLIT) + 1)
    idx2 = g.reshape(bsz * 2, seqlen // 2)

    y3 = _sc_gather(t2, idx2, bsz, seqlen)
    return _tc_to_output_layout(y3, bsz, seqlen)

# --- scband reference (transcript-rebuilt; emitter-appended) ---
"""Pipeline reference for scband-dynamic-language-adaptive-input-embeddings-61400852463774 (READ-ONLY COPY).

The authoritative reference and input builder live on the scoring server;
editing this copy changes nothing except your own understanding.
"""

import jax, jax.numpy as jnp
import numpy as np
import math

D_MODEL = 64
VOCAB = 1000000

def setup_inputs(seed: int = 0) -> dict:
    key = jax.random.key(seed)
    k1, k2, k3, k4 = jax.random.split(key, 4)
    x = jax.random.randint(k1, (4096, 200), 0, VOCAB)
    table = jax.random.normal(k2, (VOCAB, D_MODEL), dtype=jnp.float32)
    # adapter Linear for lang_0 (created by update_for_new_language in torch)
    W = jax.random.normal(k3, (D_MODEL, D_MODEL), dtype=jnp.float32) * (1.0 / math.sqrt(D_MODEL))
    b = jax.random.normal(k4, (D_MODEL,), dtype=jnp.float32) * 0.01
    return {"x": x, "table": table, "W": W, "b": b, "lang_id": 0}

def reference(x, table, W, b, lang_id):
    # base embedding lookup (dropout is identity in eval / p=0)
    base_embeds = jnp.take(table, x, axis=0)  # [B, L, d_model]
    # language adapter: nn.Linear(d_model, d_model) -> x @ W.T + b
    lang_embeds = base_embeds @ W.T + b
    return lang_embeds * math.sqrt(float(D_MODEL))

if __name__ == "__main__":
    import jax
    _d = setup_inputs()
    print(jax.jit(kernel)(*tuple(_d.values())))

</pallas_src>

<mosaic_0001>
#map = affine_map<(d0, d1) -> (0, 0)>
module attributes {stable_mosaic.version = 14 : i64} {
  func.func @gather_kernel(%arg0: i32, %arg1: i32, %arg2: memref<1048576x64xf32, #tpu.memory_space<hbm>>, %arg3: memref<8192x100xi32, #tpu.memory_space<hbm>>, %arg4: memref<819200x64xf32, #tpu.memory_space<hbm>>, %arg5: memref<256x100xi32, #tpu.memory_space<vmem>>, %arg6: memref<200x64xf32, #tpu.memory_space<vmem>>, %arg7: memref<!tpu.dma_semaphore, #tpu.memory_space<semaphore_mem>>) attributes {dimension_semantics = [#tpu.dimension_semantics<core_parallel>, #tpu.dimension_semantics<subcore_parallel>], iteration_bounds = array<i64: 2, 16>, scalar_prefetch = 0 : i64, scratch_operands = 3 : i64, tpu.core_type = #tpu.core_type<sc_vector_subcore>, window_params = [{transform_indices = #map}, {transform_indices = #map}, {transform_indices = #map}]} {
    %mul3A = arith.constant 2 : i32
    %mul3A_0 = arith.muli %arg1, %mul3A : i32
    %add3A = arith.addi %mul3A_0, %arg0 : i32
    %mul3A_1 = arith.constant 2 : i32
    %mul3A_2 = arith.muli %add3A, %mul3A_1 : i32
    %mul3A_3 = arith.constant 128 : i32
    %mul3A_4 = arith.muli %mul3A_2, %mul3A_3 : i32
    "tpu.region"() ({
      %run_scoped3A = tpu.sem_alloc : memref<!tpu.dma_semaphore, #tpu.memory_space<semaphore_mem>>
      %dma_start3A = arith.constant 0 : i32
      %dma_start3A_10 = tpu.memref_slice %arg3[%mul3A_4, %dma_start3A] : memref<8192x100xi32, #tpu.memory_space<hbm>> -> memref<256x100xi32, #tpu.memory_space<hbm>>
      %dma_start3A_11 = arith.constant 0 : i32
      %dma_start3A_12 = tpu.memref_slice %arg3[%mul3A_4, %dma_start3A_11] : memref<8192x100xi32, #tpu.memory_space<hbm>> -> memref<256x100xi32, #tpu.memory_space<hbm>>
      tpu.enqueue_dma source(%dma_start3A_12 : memref<256x100xi32, #tpu.memory_space<hbm>>) target(%arg5 : memref<256x100xi32, #tpu.memory_space<vmem>>) target_semaphore(%run_scoped3A : memref<!tpu.dma_semaphore, #tpu.memory_space<semaphore_mem>>)
      %dma_wait3A = arith.constant 0 : i32
      %dma_wait3A_13 = tpu.memref_slice %arg3[%mul3A_4, %dma_wait3A] : memref<8192x100xi32, #tpu.memory_space<hbm>> -> memref<256x100xi32, #tpu.memory_space<hbm>>
      %dma_wait3A_14 = arith.constant 0 : i32
      %dma_wait3A_15 = tpu.memref_slice %arg3[%mul3A_4, %dma_wait3A_14] : memref<8192x100xi32, #tpu.memory_space<hbm>> -> memref<256x100xi32, #tpu.memory_space<hbm>>
      tpu.wait_dma2 semaphore(%run_scoped3A : memref<!tpu.dma_semaphore, #tpu.memory_space<semaphore_mem>>) src(%dma_wait3A_15 : memref<256x100xi32, #tpu.memory_space<hbm>>) dst(%arg5 : memref<256x100xi32, #tpu.memory_space<vmem>>)
      tpu.yield
    }) : () -> ()
    %scan3A = arith.constant 0 : i32
    %scan3A_5 = arith.constant 0 : i32
    %scan3A_6 = arith.constant 128 : i32
    %scan3A_7 = arith.addi %scan3A_5, %scan3A_6 : i32
    %scan3A_8 = arith.constant 1 : i32
    scf.for %scan3A_10 = %scan3A_5 to %scan3A_7 step %scan3A_8  : i32 {
      %mul3A_11 = arith.constant 2 : i32
      %mul3A_12 = arith.muli %mul3A_11, %scan3A_10 : i32
      %dma_start3A = arith.constant 0 : i32
      %dma_start3A_13 = arith.constant 0 : i32
      %dma_start3A_14 = tpu.memref_slice %arg6[%dma_start3A, %dma_start3A_13] : memref<200x64xf32, #tpu.memory_space<vmem>> -> memref<100x64xf32, #tpu.memory_space<vmem>>
      %dma_start3A_15 = arith.constant 0 : i32
      %dma_start3A_16 = tpu.memref_slice %arg5[%mul3A_12, %dma_start3A_15] : memref<256x100xi32, #tpu.memory_space<vmem>> -> memref<1x100xi32, #tpu.memory_space<vmem>>
      %dma_start3A_17 = tpu.memref_squeeze %dma_start3A_16 : memref<1x100xi32, #tpu.memory_space<vmem>> -> memref<100xi32, #tpu.memory_space<vmem>>
      %dma_start3A_18 = arith.constant 0 : i32
      %dma_start3A_19 = arith.constant 0 : i32
      %dma_start3A_20 = tpu.memref_slice %arg2[%dma_start3A_18, %dma_start3A_19] : memref<1048576x64xf32, #tpu.memory_space<hbm>> -> memref<1048576x64xf32, #tpu.memory_space<hbm>>
      tpu.enqueue_indirect_dma source(%dma_start3A_20 : memref<1048576x64xf32, #tpu.memory_space<hbm>>) target(%dma_start3A_14 : memref<100x64xf32, #tpu.memory_space<vmem>>) offsets(%dma_start3A_17 : memref<100xi32, #tpu.memory_space<vmem>>) semaphore(%arg7 : memref<!tpu.dma_semaphore, #tpu.memory_space<semaphore_mem>>)
      %mul3A_21 = arith.constant 2 : i32
      %mul3A_22 = arith.muli %mul3A_21, %scan3A_10 : i32
      %add3A_23 = arith.constant 1 : i32
      %add3A_24 = arith.addi %mul3A_22, %add3A_23 : i32
      %dma_start3A_25 = arith.constant 100 : i32
      %dma_start3A_26 = arith.constant 0 : i32
      %dma_start3A_27 = tpu.memref_slice %arg6[%dma_start3A_25, %dma_start3A_26] : memref<200x64xf32, #tpu.memory_space<vmem>> -> memref<100x64xf32, #tpu.memory_space<vmem>>
      %dma_start3A_28 = arith.constant 0 : i32
      %dma_start3A_29 = tpu.memref_slice %arg5[%add3A_24, %dma_start3A_28] : memref<256x100xi32, #tpu.memory_space<vmem>> -> memref<1x100xi32, #tpu.memory_space<vmem>>
      %dma_start3A_30 = tpu.memref_squeeze %dma_start3A_29 : memref<1x100xi32, #tpu.memory_space<vmem>> -> memref<100xi32, #tpu.memory_space<vmem>>
      %dma_start3A_31 = arith.constant 0 : i32
      %dma_start3A_32 = arith.constant 0 : i32
      %dma_start3A_33 = tpu.memref_slice %arg2[%dma_start3A_31, %dma_start3A_32] : memref<1048576x64xf32, #tpu.memory_space<hbm>> -> memref<1048576x64xf32, #tpu.memory_space<hbm>>
      tpu.enqueue_indirect_dma source(%dma_start3A_33 : memref<1048576x64xf32, #tpu.memory_space<hbm>>) target(%dma_start3A_27 : memref<100x64xf32, #tpu.memory_space<vmem>>) offsets(%dma_start3A_30 : memref<100xi32, #tpu.memory_space<vmem>>) semaphore(%arg7 : memref<!tpu.dma_semaphore, #tpu.memory_space<semaphore_mem>>)
      %dma_wait3A = arith.constant 0 : i32
      %dma_wait3A_34 = arith.constant 0 : i32
      %dma_wait3A_35 = tpu.memref_slice %arg6[%dma_wait3A, %dma_wait3A_34] : memref<200x64xf32, #tpu.memory_space<vmem>> -> memref<100x64xf32, #tpu.memory_space<vmem>>
      %dma_wait3A_36 = arith.constant 0 : i32
      %dma_wait3A_37 = tpu.memref_slice %arg5[%mul3A_12, %dma_wait3A_36] : memref<256x100xi32, #tpu.memory_space<vmem>> -> memref<1x100xi32, #tpu.memory_space<vmem>>
      %dma_wait3A_38 = tpu.memref_squeeze %dma_wait3A_37 : memref<1x100xi32, #tpu.memory_space<vmem>> -> memref<100xi32, #tpu.memory_space<vmem>>
      %dma_wait3A_39 = arith.constant 0 : i32
      %dma_wait3A_40 = arith.constant 0 : i32
      %dma_wait3A_41 = tpu.memref_slice %arg2[%dma_wait3A_39, %dma_wait3A_40] : memref<1048576x64xf32, #tpu.memory_space<hbm>> -> memref<1048576x64xf32, #tpu.memory_space<hbm>>
      tpu.wait_indirect_dma semaphore(%arg7 : memref<!tpu.dma_semaphore, #tpu.memory_space<semaphore_mem>>) src(%dma_wait3A_41 : memref<1048576x64xf32, #tpu.memory_space<hbm>>) dst(%dma_wait3A_35 : memref<100x64xf32, #tpu.memory_space<vmem>>)
      %dma_wait3A_42 = arith.constant 100 : i32
      %dma_wait3A_43 = arith.constant 0 : i32
      %dma_wait3A_44 = tpu.memref_slice %arg6[%dma_wait3A_42, %dma_wait3A_43] : memref<200x64xf32, #tpu.memory_space<vmem>> -> memref<100x64xf32, #tpu.memory_space<vmem>>
      %dma_wait3A_45 = arith.constant 0 : i32
      %dma_wait3A_46 = tpu.memref_slice %arg5[%add3A_24, %dma_wait3A_45] : memref<256x100xi32, #tpu.memory_space<vmem>> -> memref<1x100xi32, #tpu.memory_space<vmem>>
      %dma_wait3A_47 = tpu.memref_squeeze %dma_wait3A_46 : memref<1x100xi32, #tpu.memory_space<vmem>> -> memref<100xi32, #tpu.memory_space<vmem>>
      %dma_wait3A_48 = arith.constant 0 : i32
      %dma_wait3A_49 = arith.constant 0 : i32
      %dma_wait3A_50 = tpu.memref_slice %arg2[%dma_wait3A_48, %dma_wait3A_49] : memref<1048576x64xf32, #tpu.memory_space<hbm>> -> memref<1048576x64xf32, #tpu.memory_space<hbm>>
      tpu.wait_indirect_dma semaphore(%arg7 : memref<!tpu.dma_semaphore, #tpu.memory_space<semaphore_mem>>) src(%dma_wait3A_50 : memref<1048576x64xf32, #tpu.memory_space<hbm>>) dst(%dma_wait3A_44 : memref<100x64xf32, #tpu.memory_space<vmem>>)
      %mul3A_51 = arith.constant 128 : i32
      %mul3A_52 = arith.muli %add3A, %mul3A_51 : i32
      %add3A_53 = arith.addi %mul3A_52, %scan3A_10 : i32
      %mul3A_54 = arith.constant 200 : i32
      %mul3A_55 = arith.muli %add3A_53, %mul3A_54 : i32
      "tpu.region"() ({
        %run_scoped3A = tpu.sem_alloc : memref<!tpu.dma_semaphore, #tpu.memory_space<semaphore_mem>>
        %dma_start3A_56 = arith.constant 0 : i32
        %dma_start3A_57 = tpu.memref_slice %arg4[%mul3A_55, %dma_start3A_56] : memref<819200x64xf32, #tpu.memory_space<hbm>> -> memref<200x64xf32, #tpu.memory_space<hbm>>
        %dma_start3A_58 = arith.constant 0 : i32
        %dma_start3A_59 = tpu.memref_slice %arg4[%mul3A_55, %dma_start3A_58] : memref<819200x64xf32, #tpu.memory_space<hbm>> -> memref<200x64xf32, #tpu.memory_space<hbm>>
        tpu.enqueue_dma source(%arg6 : memref<200x64xf32, #tpu.memory_space<vmem>>) target(%dma_start3A_59 : memref<200x64xf32, #tpu.memory_space<hbm>>) target_semaphore(%run_scoped3A : memref<!tpu.dma_semaphore, #tpu.memory_space<semaphore_mem>>)
        %dma_wait3A_60 = arith.constant 0 : i32
        %dma_wait3A_61 = tpu.memref_slice %arg4[%mul3A_55, %dma_wait3A_60] : memref<819200x64xf32, #tpu.memory_space<hbm>> -> memref<200x64xf32, #tpu.memory_space<hbm>>
        %dma_wait3A_62 = arith.constant 0 : i32
        %dma_wait3A_63 = tpu.memref_slice %arg4[%mul3A_55, %dma_wait3A_62] : memref<819200x64xf32, #tpu.memory_space<hbm>> -> memref<200x64xf32, #tpu.memory_space<hbm>>
        tpu.wait_dma2 semaphore(%run_scoped3A : memref<!tpu.dma_semaphore, #tpu.memory_space<semaphore_mem>>) src(%arg6 : memref<200x64xf32, #tpu.memory_space<vmem>>) dst(%dma_wait3A_63 : memref<200x64xf32, #tpu.memory_space<hbm>>)
        tpu.yield
      }) : () -> ()
    }
    %scan3A_9 = arith.constant 128 : i32
    return
  }
}

module attributes {stable_mosaic.version = 14 : i64} {
  func.func @body(%arg0: i32, %arg1: memref<64x8192xf32, #tpu.memory_space<vmem>>, %arg2: memref<64x8192xf32, #tpu.memory_space<vmem>>, %arg3: memref<64x64xf32, #tpu.memory_space<vmem>>, %arg4: memref<1x64xf32, #tpu.memory_space<vmem>>, %arg5: memref<8192x128xf32, #tpu.memory_space<vmem>>) attributes {dimension_semantics = [#tpu.dimension_semantics<arbitrary>], iteration_bounds = array<i64: 64>, scalar_prefetch = 0 : i64, scratch_operands = 0 : i64, tpu.core_type = #tpu.core_type<tc>, window_params = [{transform_indices = @transform_0, window_bounds = array<i64: 64, 8192>}, {transform_indices = @transform_1, window_bounds = array<i64: 64, 8192>}, {pipeline_mode = #tpu.pipeline_mode<synchronous>, transform_indices = @transform_2, window_bounds = array<i64: 64, 64>}, {pipeline_mode = #tpu.pipeline_mode<synchronous>, transform_indices = @transform_3, window_bounds = array<i64: 1, 64>}, {transform_indices = @transform_4, window_bounds = array<i64: 8192, 128>}]} {
    %get3A = arith.constant 0 : index
    %get3A_0 = arith.constant 0 : index
    %get3A_1 = vector.load %arg1[%get3A, %get3A_0] : memref<64x8192xf32, #tpu.memory_space<vmem>>, vector<64x8192xf32>
    %get3A_2 = arith.constant 0 : index
    %get3A_3 = arith.constant 0 : index
    %get3A_4 = vector.load %arg3[%get3A_2, %get3A_3] : memref<64x64xf32, #tpu.memory_space<vmem>>, vector<64x64xf32>
    %dot_general3A = arith.constant dense<0.000000e+00> : vector<8192x64xf32>
    %dot_general3A_5 = tpu.matmul %get3A_1, %get3A_4, %dot_general3A {dimension_numbers = #tpu.dot_dimension_numbers<[0], [0], [1], [1], [0, 1, 1, 1], [], []>, transpose_lhs_hint = false} : vector<64x8192xf32>, vector<64x64xf32>, vector<8192x64xf32> -> vector<8192x64xf32>
    %get3A_6 = arith.constant 0 : index
    %get3A_7 = arith.constant 0 : index
    %get3A_8 = vector.load %arg4[%get3A_6, %get3A_7] : memref<1x64xf32, #tpu.memory_space<vmem>>, vector<1x64xf32>
    %add3A = vector.broadcast %get3A_8 : vector<1x64xf32> to vector<8192x64xf32>
    %add3A_9 = arith.addf %dot_general3A_5, %add3A : vector<8192x64xf32>
    %get3A_10 = arith.constant 0 : index
    %get3A_11 = arith.constant 0 : index
    %get3A_12 = vector.load %arg2[%get3A_10, %get3A_11] : memref<64x8192xf32, #tpu.memory_space<vmem>>, vector<64x8192xf32>
    %get3A_13 = arith.constant 0 : index
    %get3A_14 = arith.constant 0 : index
    %get3A_15 = vector.load %arg3[%get3A_13, %get3A_14] : memref<64x64xf32, #tpu.memory_space<vmem>>, vector<64x64xf32>
    %dot_general3A_16 = arith.constant dense<0.000000e+00> : vector<8192x64xf32>
    %dot_general3A_17 = tpu.matmul %get3A_12, %get3A_15, %dot_general3A_16 {dimension_numbers = #tpu.dot_dimension_numbers<[0], [0], [1], [1], [0, 1, 1, 1], [], []>, transpose_lhs_hint = false} : vector<64x8192xf32>, vector<64x64xf32>, vector<8192x64xf32> -> vector<8192x64xf32>
    %get3A_18 = arith.constant 0 : index
    %get3A_19 = arith.constant 0 : index
    %get3A_20 = vector.load %arg4[%get3A_18, %get3A_19] : memref<1x64xf32, #tpu.memory_space<vmem>>, vector<1x64xf32>
    %add3A_21 = vector.broadcast %get3A_20 : vector<1x64xf32> to vector<8192x64xf32>
    %add3A_22 = arith.addf %dot_general3A_17, %add3A_21 : vector<8192x64xf32>
    %concatenate3A = tpu.concatenate %add3A_9, %add3A_22 in 1 : vector<8192x64xf32>, vector<8192x64xf32> -> vector<8192x128xf32>
    %swap3A = arith.constant 0 : index
    %swap3A_23 = arith.constant 0 : index
    %swap3A_24 = vector.load %arg5[%swap3A, %swap3A_23] : memref<8192x128xf32, #tpu.memory_space<vmem>>, vector<8192x128xf32>
    tpu.vector_store %arg5[%swap3A, %swap3A_23], %concatenate3A {strides = array<i32>} : memref<8192x128xf32, #tpu.memory_space<vmem>>, vector<8192x128xf32>,
    return
  }
  func.func @transform_0(%arg0: i32) -> (i32, i32) {
    %c0_i32 = arith.constant 0 : i32
    %c0_i32_0 = arith.constant 0 : i32
    return %c0_i32, %arg0 : i32, i32
  }
  func.func @transform_1(%arg0: i32) -> (i32, i32) {
    %add3A = arith.constant 64 : i32
    %add3A_0 = arith.addi %arg0, %add3A : i32
    %min3A = arith.constant 122 : i32
    %min3A_1 = arith.minsi %add3A_0, %min3A : i32
    %c0_i32 = arith.constant 0 : i32
    %c0_i32_2 = arith.constant 0 : i32
    return %c0_i32, %min3A_1 : i32, i32
  }
  func.func @transform_2(%arg0: i32) -> (i32, i32) {
    %c0_i32 = arith.constant 0 : i32
    %c0_i32_0 = arith.constant 0 : i32
    %c0_i32_1 = arith.constant 0 : i32
    return %c0_i32, %c0_i32_0 : i32, i32
  }
  func.func @transform_3(%arg0: i32) -> (i32, i32) {
    %c0_i32 = arith.constant 0 : i32
    %c0_i32_0 = arith.constant 0 : i32
    %c0_i32_1 = arith.constant 0 : i32
    return %c0_i32, %c0_i32_0 : i32, i32
  }
  func.func @transform_4(%arg0: i32) -> (i32, i32) {
    %c0_i32 = arith.constant 0 : i32
    %c0_i32_0 = arith.constant 0 : i32
    return %arg0, %c0_i32 : i32, i32
  }
}

module attributes {stable_mosaic.version = 14 : i64} {
  func.func @body(%arg0: i32, %arg1: i32, %arg2: memref<128x1280xf32, #tpu.memory_space<vmem>>, %arg3: memref<20x64x128xf32, #tpu.memory_space<vmem>>) attributes {dimension_semantics = [#tpu.dimension_semantics<arbitrary>, #tpu.dimension_semantics<arbitrary>], iteration_bounds = array<i64: 32, 10>, scalar_prefetch = 0 : i64, scratch_operands = 0 : i64, tpu.core_type = #tpu.core_type<tc>, window_params = [{transform_indices = @transform_0, window_bounds = array<i64: 128, 1280>}, {transform_indices = @transform_1, window_bounds = array<i64: 20, 64, 128>}]} {
    %get3A = arith.constant 0 : index
    %get3A_0 = arith.constant 0 : index
    %get3A_1 = vector.load %arg2[%get3A, %get3A_0] : memref<128x1280xf32, #tpu.memory_space<vmem>>, vector<128x1280xf32>
    %transpose3A = tpu.transpose %get3A_1, [1, 0] : vector<128x1280xf32> -> vector<1280x128xf32>
    %reshape3A = vector.shape_cast %transpose3A : vector<1280x128xf32> to vector<20x64x128xf32>
    %swap3A = arith.constant 0 : index
    %swap3A_2 = arith.constant 0 : index
    %swap3A_3 = arith.constant 0 : index
    %swap3A_4 = vector.load %arg3[%swap3A, %swap3A_2, %swap3A_3] : memref<20x64x128xf32, #tpu.memory_space<vmem>>, vector<20x64x128xf32>
    tpu.vector_store %arg3[%swap3A, %swap3A_2, %swap3A_3], %reshape3A {strides = array<i32>} : memref<20x64x128xf32, #tpu.memory_space<vmem>>, vector<20x64x128xf32>,
    return
  }
  func.func @transform_0(%arg0: i32, %arg1: i32) -> (i32, i32) {
    %c0_i32 = arith.constant 0 : i32
    return %arg0, %arg1 : i32, i32
  }
  func.func @transform_1(%arg0: i32, %arg1: i32) -> (i32, i32, i32) {
    %c0_i32 = arith.constant 0 : i32
    %c0_i32_0 = arith.constant 0 : i32
    return %arg1, %c0_i32, %arg0 : i32, i32, i32
  }
}

</mosaic_0001>

<sc_bundles>
// kernel: kernel.5.cloned.1.call-start
scs
__scs_entry_jumppad:
0x0: {  	(pc) =	sbr.rel $0x88, $3  }
0x1: {  	(tag) =	ssettag $0x0;
	lr =	simm.s32 $0x1  }
0x2: {  	[smem:$0x3F9D] =	sst lr;
	_ =	strace $0xD0000000  }
0x3: {  	_ = 	snop  }
0x4: {  	_ = 	snop  }
0x5: {  	_ = 	snop  }
0x6: {  	_ = 	snop  }
0x7: {  	_ = 	snop  }
__scs_overlays_trampoline_lowered:
0x8: {  	[smem:$0x3FAC] =	sst s0  }
0x9: {  	[smem:$0x3FAD] =	sst s1  }
0xa: {  	[smem:$0x3FAE] =	sst s2  }
0xb: {  	[smem:$0x3FAF] =	sst s3  }
0xc: {  	[smem:$0x3FB0] =	sst s4  }
0xd: {  	[smem:$0x3FB1] =	sst s5  }
0xe: {  	[smem:$0x3FB2] =	sst s6  }
0xf: {  	[smem:$0x3FB3] =	sst s7  }
0x10: {  	[smem:$0x3FB4] =	sst s8  }
0x11: {  	[smem:$0x3FB5] =	sst s9;
	s0 =	simm.s32 @!p0 $0x0  }
0x12: {  	s1 =	sld [smem:$0x3F9B];
	s0 =	simm.s32 @p0 $0x1  }
0x13: {  	[smem:$0x3FB6] =	sst s0;
	s0 =	simm.s32 @!p1 $0x0  }
0x14: {  	s2 =	sld [smem:$0x3F9A];
	s0 =	simm.s32 @p1 $0x1  }
0x15: {  	[smem:$0x3FB7] =	sst s0;
	s0 =	simm.s32 @!p2 $0x0  }
0x16: {  	s3 =	sld [smem:$0x3FDB];
	s0 =	simm.s32 @p2 $0x1  }
0x17: {  	s4 =	simm.s32 $0x1BF5;
	[smem:$0x3FB9] =	sst s0  }
0x18: {  	s0 =	sld [smem:$0x3F9C];
	_ =	swait.ge [sflag:s4], $0x0  }
0x19: {  	s7 =	sld [smem:$0x3F9D]  }
0x1a: {  	s8 =	sadd.s32 $0xFFFFE003, lr  }
0x1b: {  	s9 =	sadd.s32 $0xFFFFFEF7, lr;
	s5 =	simm.s32 $0xFFFFFFFF;
	p2 =	slt.u32 s8, $0xFFFFF086  }
0x1c: {  	p1 =	slt.u32 s9, $0xF7A;
	s5 =	simm.s32 @!p2 $0x0  }
0x1d: {  	s5 =	simm.s32 @p1 $0x1;
	p0 =	seq.s32 s7, s2  }
0x1e: {  	s7 =	smul.u32 @!p0 $0xF7A, s2;
	p2 =	seq.s32 @!p0 s5, $0x0  }
0x1f: {  	s9 =	smul.u32 $0xF7A, s1;
	s8 =	simm.s32 @!p0 $0x1BF5;
	p2 =	por !p2, p0  }
0x20: {  	[sflag:s8] =	ssyncset.s32 @!p0 $0xFFFFF086;
	s6 =	sadd.s32 @!p0 s3, s7;
	s7 =	simm.s32 @!p0 $0x108  }
0x21: {  	s3 =	sadd.s32 s3, s9;
	s6 =	sadd.s32 @!p0 $0x88, s6;
	s7 =	simm.s32 @p2 $0x1082  }
0x22: {  	[simem:s7], [sflag:s8] =	dma.local @!p0 [hbm:s6], $0xF7A  }
0x23: {  	s9 =	sor.u32 $0xD0000000, s2;
	s6 =	simm.s32 $0x108;
	_ =	swait.ge @!p0 [sflag:s8], $0x0  }
0x24: {  	s3 =	sadd.s32 $0x88, s3;
	s6 =	simm.s32 @!p1 $0x1082;
	[sflag:s4] =	ssyncset.s32 $0xFFFFF086  }
0x25: {  	[simem:s6], [sflag:s4] =	dma.local [hbm:s3], $0xF7A  }
0x26: {  	[smem:$0x3F9D] =	sst s1;
	(tag) =	ssettag s2;
	_ =	strace s9  }
0x27: {  	s1 =	sld [smem:$0x3FAD]  }
0x28: {  	s2 =	sld [smem:$0x3FAE]  }
0x29: {  	s4 =	sld [smem:$0x3FB0]  }
0x2a: {  	p0 =	seq.s32 s5, $0x0;
	s5 =	sld [smem:$0x3FB1]  }
0x2b: {  	s6 =	sld [smem:$0x3FB2]  }
0x2c: {  	s7 =	sld [smem:$0x3FB3]  }
0x2d: {  	s3 =	simm.s32 $0x108;
	s8 =	sld [smem:$0x3FB4]  }
0x2e: {  	s3 =	simm.s32 @!p0 $0x1082;
	s9 =	sld [smem:$0x3FB5]  }
0x2f: {  	lr =	sadd.s32 s0, s3;
	s0 =	sld [smem:$0x3FAC]  }
0x30: {  	s3 =	sld [smem:$0x3FAF]  }
0x31: {  	[smem:$0x3FB8] =	sst s10  }
0x32: {  	s10 =	sld [smem:$0x3FB6];
	_ =	sdelay $0x3  }
0x33: {  	p0 =	seq.s32 s10, $0x1;
	s10 =	sld [smem:$0x3FB8];
	_ =	sdelay $0x3  }
0x34: {  	[smem:$0x3FB8] =	sst s10  }
0x35: {  	s10 =	sld [smem:$0x3FB7];
	_ =	sdelay $0x3  }
0x36: {  	p1 =	seq.s32 s10, $0x1;
	s10 =	sld [smem:$0x3FB8];
	_ =	sdelay $0x3  }
0x37: {  	[smem:$0x3FB8] =	sst s10  }
0x38: {  	s10 =	sld [smem:$0x3FB9]  }
0x39: {  	_ = 	snop;
	(pc) =	sbr.ind lr, $3  }
0x3a: {  	_ = 	snop  }
0x3b: {  	_ = 	snop  }
0x3c: {  	p2 =	seq.s32 s10, $0x1;
	s10 =	sld [smem:$0x3FB8]  }
0x3d: {  	_ =	shalt  }
0x3e: {  	_ =	shalt  }
0x3f: {  	_ =	shalt  }
0x40: {  	_ =	shalt  }
0x41: {  	_ =	shalt  }
0x42: {  	_ =	shalt  }
0x43: {  	_ =	shalt  }
0x44: {  	_ =	shalt  }
0x45: {  	_ =	shalt  }
0x46: {  	_ =	shalt  }
0x47: {  	_ =	shalt  }
0x48: {  	_ =	shalt  }
0x49: {  	_ =	shalt  }
0x4a: {  	_ =	shalt  }
0x4b: {  	_ =	shalt  }
0x4c: {  	_ =	shalt  }
0x4d: {  	_ =	shalt  }
0x4e: {  	_ =	shalt  }
0x4f: {  	_ =	shalt  }
0x50: {  	_ =	shalt  }
0x51: {  	_ =	shalt  }
0x52: {  	_ =	shalt  }
0x53: {  	_ =	shalt  }
0x54: {  	_ =	shalt  }
0x55: {  	_ =	shalt  }
0x56: {  	_ =	shalt  }
0x57: {  	_ =	shalt  }
0x58: {  	_ =	shalt  }
0x59: {  	_ =	shalt  }
0x5a: {  	_ =	shalt  }
0x5b: {  	_ =	shalt  }
0x5c: {  	_ =	shalt  }
0x5d: {  	_ =	shalt  }
0x5e: {  	_ =	shalt  }
0x5f: {  	_ =	shalt  }
0x60: {  	_ =	shalt  }
0x61: {  	_ =	shalt  }
0x62: {  	_ =	shalt  }
0x63: {  	_ =	shalt  }
0x64: {  	_ =	shalt  }
0x65: {  	_ =	shalt  }
0x66: {  	_ =	shalt  }
0x67: {  	_ =	shalt  }
0x68: {  	_ =	shalt  }
0x69: {  	_ =	shalt  }
0x6a: {  	_ =	shalt  }
0x6b: {  	_ =	shalt  }
0x6c: {  	_ =	shalt  }
0x6d: {  	_ =	shalt  }
0x6e: {  	_ =	shalt  }
0x6f: {  	_ =	shalt  }
0x70: {  	_ =	shalt  }
0x71: {  	_ =	shalt  }
0x72: {  	_ =	shalt  }
0x73: {  	_ =	shalt  }
0x74: {  	_ =	shalt  }
0x75: {  	_ =	shalt  }
0x76: {  	_ =	shalt  }
0x77: {  	_ =	shalt  }
0x78: {  	_ =	shalt  }
0x79: {  	_ =	shalt  }
0x7a: {  	_ =	shalt  }
0x7b: {  	_ =	shalt  }
0x7c: {  	_ =	shalt  }
0x7d: {  	_ =	shalt  }
0x7e: {  	_ =	shalt  }
0x7f: {  	_ =	shalt  }
0x80: {  	_ =	shalt  }
0x81: {  	_ =	shalt  }
0x82: {  	_ =	shalt  }
0x83: {  	_ =	shalt  }
0x84: {  	_ =	shalt  }
0x85: {  	_ =	shalt  }
0x86: {  	_ =	shalt  }
0x87: {  	_ =	shalt  }
.Lfunc_end0:
.L_simem_size_0:
called_computation_lowered:
.L_overlay_start_0:
0x88: {  	s2 =	sld [smem:$0x3FD9]  }
0x89: {  	s3 =	sld [smem:$0x3FFE];
	_ =	sdelay $0x1  }
0x8a: {  	s1 =	srdreg.scid  }
0x8b: {  	s0 =	sand.u32 $0x1, s1  }
0x8c: {  	s17 =	sshll.u32 s0, $0xA;
	s2 =	sadd.s32 s3, s2  }
0x8d: {  	s2 =	sadd.s32 s2, s17  }
0x8e: {  	[smem:$0x3FC4] =	sst s2  }
0x8f: {  	_ = 	snop  }
0x90: {  	s2 =	sld [smem:$0x3FD0];
	(tm) =	ssettm $0x1  }
0x91: {  	s18 =	sld [smem:$0x3FFB];
	_ =	sdelay $0x3  }
0x92: {  	_ =	strace s18  }
0x93: {  	s3 =	sld [smem:$0x3FFC];
	_ =	sdelay $0x3  }
0x94: {  	_ =	strace s3  }
0x95: {  	s3 =	sld [smem:$0x3FFD];
	_ =	sdelay $0x3  }
0x96: {  	_ =	strace s3  }
0x97: {  	_ =	strace $0x8FFFFFFF  }
0x98: {  	s19 =	sld [smem:$0x3FDB];
	_ =	sdelay $0x1  }
0x99: {  	s4 =	simm.s32 $_scs_section_size  }
0x9a: {  	s5 =	simm.s32 $_size__tile_overlayer_lowered;
	s6 =	simm.s32 $_tile_overlayer_lowered  }
0x9b: {  	s22 =	simm.s32 $0x1BFF;
	s21 =	sshll.u32 s6, $0x1;
	s3 =	sadd.s32 s4, s19  }
0x9c: {  	s7 =	simm.s32 $0x0;
	s20 =	sshll.u32 s5, $0x1;
	s5 =	sadd.s32 s21, s3  }
0x9d: {  	[timem:s7], [sflag:s22] =	dma.local [hbm:s5], s20  }
0x9e: {  	_ =	swait.ge [sflag:s22], s20  }
0x9f: {  	s4 =	ssub.s32 $0x0, s20;
	[sflag:s22] =	ssyncset.done $0x0  }
0xa0: {  	[sflag:s22] =	ssyncadd.s32 s4;
	_ =	sdelay $0x1  }
0xa1: {  	s23 =	simm.s32 $0x1B8B  }
0xa2: {  	_ =	swait.ge [sflag:s23], $0x1  }
0xa3: {  	[sflag:s23] =	ssyncset.done $0x0  }
0xa4: {  	s25 =	simm.s32 $0x1B8E;
	s24 =	sld [smem:$0x3FFE];
	[sflag:s23] =	ssyncadd.s32 $0xFFFFFFFF  }
0xa5: {  	s26 =	simm.s32 $execute0_lowered;
	[smem:$0x3FD2] =	sst s25  }
0xa6: {  	s5 =	sshll.u32 s26, $0x1;
	_ =	strace $0x80000046;
	[dreg:$0x1] =	wrdreg $0xFFFFFFFF  }
0xa7: {  	s28 =	simm.s32 $_size_execute0_lowered;
	s3 =	sadd.s32 s3, s5;
	[dreg:$0x0] =	wrdreg $0x0  }
0xa8: {  	s5 =	sshll.u32 s28, $0x1;
	[dreg:$0x2] =	wrdreg s3  }
0xa9: {  	[dreg:$0x3] =	wrdreg s5  }
0xaa: {  	[dreg:$0x4] =	wrdreg $0xC0  }
0xab: {  	_ =	task [dreg:s7], $0x5FFFF  }
0xac: {  	[dreg:$0x1] =	wrdreg $0xFFFFFFFF  }
0xad: {  	[dreg:$0x0] =	wrdreg $0x60  }
0xae: {  	[dreg:$0x2] =	wrdreg s24  }
0xaf: {  	[dreg:$0x3] =	wrdreg s2  }
0xb0: {  	[dreg:$0x4] =	wrdreg $0x9  }
0xb1: {  	_ =	task.clear_ibuf [dreg:s7], $0x5FFFF;
	_ =	strace $0x90000046  }
0xb2: {  	s29 =	simm.s32 $0x9;
	_ =	strace $0x80000048  }
0xb3: {  	_ =	swait.ge [sflag:s29], $0x1  }
0xb4: {  	[sflag:s29] =	ssyncadd.s32 $0xFFFFFFFF  }
0xb5: {  	_ =	strace $0x90000048  }
0xb6: {  	_ =	sfence  }
0xb7: {  	s30 =	sld [smem:$0x0];
	_ =	sdelay $0x2  }
0xb8: {  	s31 =	sshll.u32 s1, $0xD;
	s1 =	sshrl.u32 s1, $0x2  }
0xb9: {  	s3 =	sand.u32 $0x4000, s31;
	s1 =	sadd.s32 s1, s30  }
0xba: {  	s0 =	sor.u32 s3, s0;
	s1 =	sshll.u32 s1, $0x11  }
0xbb: {  	s0 =	sor.u32 s1, s0  }
0xbc: {  	s0 =	sadd.s32 $0x8F2B, s0  }
0xbd: {  	[sflag:s0] =	ssyncadd.remote.s32 $0x1  }
0xbe: {  	_ =	sfence.sel $0xFFFF  }
0xbf: {  	[dreg:$0x0] =	wrdreg $0xFFFFFFFF;
	(pc) =	sbr.abs _section_cstart, $3  }
0xc0: {  	[dreg:$0x1] =	wrdreg $0xFFFFFFFF  }
0xc1: {  	_ =	task.clear_ibuf [dreg:s7], $0x2FFFF;
	_ =	strace $0x9FFFFFFF  }
0xc2: {  	(tm) =	ssettm $0x7FFFFFFF  }
0xc3: {  	_ =	shalt  }
tec
execute0_lowered:
.L_overlay_start_1:
0x0: {  	(tag) =	ssettag $0x1  }
0x1: {  	s4 =	rddreg [dreg:$0x0];
	s1 =	srdreg.scid  }
0x2: {  	s0 =	stileid.u32;
	s5 =	rddreg [dreg:$0x1];
	s2 =	simm.s32 $0x0  }
0x3: {  	s11 =	simm.s32 $0x1;
	s12 =	simm.s32 $0x0;
	s6 =	sand.u32 $0x1, s1  }
0x4: {  	s3 =	sshll.u32 s0, $0x1;
	[smem:$0x7FF] =	sst s2;
	s9 =	smul.u32 $0x64000, s0  }
0x5: {  	s3 =	sor.u32 s6, s3;
	s8 =	ssub.s32 $0x2, s6;
	s6 =	smul.u32 $0x32000, s6  }
0x6: {  	s1 =	rddreg [dreg:$0x2];
	_ =	strace $0x80000047;
	s7 =	smul.u32 $0xD00, s3  }
0x7: {  	s3 =	sadd.s32 $0x1A400, s4;
	s10 =	sshrl.u32 s8, $0x1;
	s31 =	sadd.s32 s9, s5  }
0x8: {  	s9 =	simm.s32 $0x6800;
	s30 =	ssub.s32 s8, s10;
	s6 =	sadd.s32 s6, s31  }
0x9: {  	s8 =	simm.s32 $0x64;
	s10 =	simm.s32 $0x8100;
	s4 =	sadd.s32 s7, s4  }
0xa: {  	s5 =	smax.u32 s30, $0x1;
	s7 =	simm.s32 $0x2;
	s4 =	sadd.s32 $0x400, s4  }
.LBB2_1:
0xb: {  	[tilespmem:s2], [sflag:$0x2] =	stream.linear.gather [hbm4b:s4+s2], $0x6800, $0x38;
	[tilespmem:$0x9A00] =	vst v63  }
0xc: {  	_ =	swait.ge [sflag:s7], $0x6800  }
0xd: {  	[sflag:s7] =	ssyncset.done $0x0  }
0xe: {  	s13 =	simm.s32 $0x0;
	[sflag:s7] =	ssyncadd.s32 $0xFFFF9800  }
0xf: {  	[tilespmem:s9], [sflag:$0x1] =	stream.indirect.gather [hbm4b:s3+s8], $0x40, s13, s8, $0xb8;
	[tilespmem:$0x9A00] =	vst v63  }
0x10: {  	s30 =	simm.s32 $0x68  }
0x11: {  	[tilespmem:s10], [sflag:$0x1] =	stream.indirect.gather [hbm4b:s3+s8], $0x40, s30, s8, $0xb8;
	[tilespmem:$0x9A00] =	vst v63  }
0x12: {  	_ =	swait.ge [sflag:s11], $0x1900  }
0x13: {  	[sflag:s11] =	ssyncset.done $0x0  }
0x14: {  	[sflag:s11] =	ssyncadd.s32 $0xFFFFE700  }
0x15: {  	_ =	swait.ge [sflag:s11], $0x1900  }
0x16: {  	[sflag:s11] =	ssyncset.done $0x0  }
0x17: {  	s31 =	sadd.s32 $0x0, s6;
	[sflag:s11] =	ssyncadd.s32 $0xFFFFE700  }
0x18: {  	[hbm4b:s31+s2] =	stream.linear.scatter [tilespmem:s9], [sflag:$0x2], $0x3200, $0x38;
	[tilespmem:$0x9A00] =	vst v63  }
0x19: {  	s15 =	simm.s32 $0xC80;
	_ =	swait.ge [sflag:s7], $0x3200  }
0x1a: {  	s14 =	simm.s32 $0x138;
	s13 =	simm.s32 $0x640;
	[sflag:s7] =	ssyncset.done $0x0  }
.LBB2_2:
0x1b: {  	p0 =	sne.s32 s15, $0x319C0;
	s16 =	sadd.s32 $0xFFFFFF98, s14;
	[sflag:s7] =	ssyncadd.s32 $0xFFFFCE00  }
0x1c: {  	[tilespmem:s9], [sflag:$0x1] =	stream.indirect.gather [hbm4b:s3+s8], $0x40, s16, s8, $0xb8;
	[tilespmem:$0x9A00] =	vst v63  }
0x1d: {  	s16 =	smov.u32 s15;
	s15 =	sadd.s32 $0x640, s15  }
0x1e: {  	[tilespmem:s10], [sflag:$0x1] =	stream.indirect.gather [hbm4b:s3+s8], $0x40, s14, s8, $0xb8;
	[tilespmem:$0x9A00] =	vst v63  }
0x1f: {  	_ =	swait.ge [sflag:s11], $0x1900  }
0x20: {  	[sflag:s11] =	ssyncset.done $0x0  }
0x21: {  	[sflag:s11] =	ssyncadd.s32 $0xFFFFE700  }
0x22: {  	_ =	swait.ge [sflag:s11], $0x1900  }
.Ltmp0:
0x23: {  	[sflag:s11] =	ssyncset.done $0x0;
	(pc) =	sbr.rel @p0 .LBB2_2-.Ltmp0, $4  }
0x24: {  	s17 =	sadd.s32 s13, s6;
	s13 =	smov.u32 s16;
	[sflag:s11] =	ssyncadd.s32 $0xFFFFE700  }
0x25: {  	[hbm4b:s17+s2] =	stream.linear.scatter [tilespmem:s9], [sflag:$0x2], $0x3200, $0x38;
	[tilespmem:$0x9A00] =	vst v63  }
0x26: {  	_ =	swait.ge [sflag:s7], $0x3200  }
0x27: {  	s14 =	sadd.s32 $0xD0, s14;
	[sflag:s7] =	ssyncset.done $0x0  }
0x28: {  	s15 =	sadd.s32 $0xFFFFFF98, s14;
	[sflag:s7] =	ssyncadd.s32 $0xFFFFCE00  }
0x29: {  	[tilespmem:s9], [sflag:$0x1] =	stream.indirect.gather [hbm4b:s3+s8], $0x40, s15, s8, $0xb8;
	[tilespmem:$0x9A00] =	vst v63  }
0x2a: {  	_ = 	snop  }
0x2b: {  	[tilespmem:s10], [sflag:$0x1] =	stream.indirect.gather [hbm4b:s3+s8], $0x40, s14, s8, $0xb8;
	[tilespmem:$0x9A00] =	vst v63  }
0x2c: {  	_ =	swait.ge [sflag:s11], $0x1900  }
0x2d: {  	[sflag:s11] =	ssyncset.done $0x0  }
0x2e: {  	[sflag:s11] =	ssyncadd.s32 $0xFFFFE700  }
0x2f: {  	s12 =	sadd.s32 $0x1, s12;
	_ =	swait.ge [sflag:s11], $0x1900  }
0x30: {  	p0 =	sne.s32 s12, s5;
	[sflag:s11] =	ssyncset.done $0x0  }
.Ltmp1:
0x31: {  	s13 =	sadd.s32 s13, s6;
	[sflag:s11] =	ssyncadd.s32 $0xFFFFE700;
	(pc) =	sbr.rel @p0 .LBB2_1-.Ltmp1, $4  }
0x32: {  	[hbm4b:s13+s2] =	stream.linear.scatter [tilespmem:s9], [sflag:$0x2], $0x3200, $0x38;
	[tilespmem:$0x9A00] =	vst v63  }
0x33: {  	_ =	swait.ge [sflag:s7], $0x3200  }
0x34: {  	[sflag:s7] =	ssyncset.done $0x0  }
0x35: {  	[sflag:s7] =	ssyncadd.s32 $0xFFFFCE00  }
0x36: {  	_ =	sfence.sel $0x180000  }
0x37: {  	[bflag:$0x0] =	sbarrier.arrive $0xFFFF  }
0x38: {  	p0 =	sne.s32 s0, $0x0;
	_ =	strace $0x90000047  }
0x39: {  	s0 =	sadd.s32 @!p0 $0x100000, s1;
	[bflag:$0x2] =	sbarrier.arrive $0xFFFF  }
0x3a: {  	[sflag:s0] =	ssyncadd.tile.s32 @!p0 $0x1;
	_ =	shalt  }
.Lfunc_end2:
_tile_overlayer_lowered:
.L_overlay_start_2:
0x3b: {  	(tag) =	ssettag $0x2  }
0x3c: {  	s0 =	rddreg [dreg:$0x0];
	s2 =	stileid.u32  }
0x3d: {  	s1 =	rddreg [dreg:$0x1];
	p0 =	sne.s32 s2, $0x0  }
0x3e: {  	s3 =	rddreg [dreg:$0x2];
	[bflag:$0x3] =	sbarrier.arrive $0xFFFF;
	s2 =	simm.s32 @!p0 $0x1C02  }
0x3f: {  	[timem:s3], [sflag:s2] =	dma.local @!p0 [hbm:s0], s1  }
0x40: {  	s0 =	simm.s32 @!p0 $0x2  }
0x41: {  	_ =	swait.ge @!p0 [sflag:s0], s1  }
0x42: {  	s1 =	ssub.s32 @!p0 $0x0, s1;
	[sflag:s0] =	ssyncset.done @!p0 $0x0  }
0x43: {  	[sflag:s0] =	ssyncadd.s32 @!p0 s1  }
0x44: {  	[bflag:$0x3] =	sbarrier.arrive $0xFFFF  }
0x45: {  	_ =	shalt  }

</sc_bundles>
